<compile_context>
chip_gen: v7x
topology: tpu7x:2x2x1
jax: 0.10.2.dev20260603
libtpu: 0.0.44.dev20260713+nightly
codegen_flags: <defaults>
</compile_context>

<pallas_src>
import functools

import jax
import jax.numpy as jnp
from jax import lax
from jax.experimental import pallas as pl
from jax.experimental.pallas import tpu as pltpu
from jax.experimental.pallas import tpu_sc as plsc

BATCH = 16384
EMBED_DIM = 128
ID_DIM = 64
NUM_FEATS = 20
HIDDEN = 128
NUM_CUST = 1000000

_NC = 2
_NS = 16
_NW = _NC * _NS
_B_PER_W = BATCH // _NW
_IDX_CHUNK = 128

_RL = 32768
_RGRID = pl.cdiv(NUM_CUST, _RL)
_NPROWS = _RGRID * (_RL // 4)


def _relayout_body(t2_ref, out_ref):
    x = t2_ref[...].astype(jnp.bfloat16)
    bits = lax.bitcast_convert_type(x, jnp.uint16).astype(jnp.uint32)
    w = lax.bitcast_convert_type(
        bits[:, : _RL // 2] | (bits[:, _RL // 2 :] << 16), jnp.int32
    )
    lo = w[:, : _RL // 4].T
    hi = w[:, _RL // 4 :].T
    out_ref[...] = jnp.concatenate([lo, hi], axis=1)


def _relayout_tc(table_t):
    return pl.pallas_call(
        _relayout_body,
        grid=(_RGRID,),
        in_specs=[pl.BlockSpec((ID_DIM, _RL), lambda i: (0, i))],
        out_specs=pl.BlockSpec((_RL // 4, 2 * ID_DIM), lambda i: (i, 0)),
        out_shape=jax.ShapeDtypeStruct((_NPROWS, 2 * ID_DIM), jnp.int32),
    )(table_t)


def _gather_pairs_sc(pair_ids, table2):
    mesh = plsc.VectorSubcoreMesh(core_axis_name="c", subcore_axis_name="s")

    @functools.partial(
        pl.kernel,
        mesh=mesh,
        out_type=jax.ShapeDtypeStruct((BATCH, 2 * ID_DIM), jnp.int32),
        scratch_types=[
            pltpu.VMEM((_B_PER_W,), jnp.int32),
            pltpu.VMEM((_B_PER_W, 2 * ID_DIM), jnp.int32),
            pltpu.SemaphoreType.DMA,
        ],
    )
    def gather_kernel(idx_hbm, table_hbm, out_hbm, idx_v, rows_v, sem):
        wid = lax.axis_index("s") * _NC + lax.axis_index("c")
        base = wid * _B_PER_W
        pltpu.sync_copy(idx_hbm.at[pl.ds(base, _B_PER_W)], idx_v)
        copies = []
        for j in range(_B_PER_W // _IDX_CHUNK):
            sl = pl.ds(j * _IDX_CHUNK, _IDX_CHUNK)
            copies.append(
                pltpu.async_copy(table_hbm.at[idx_v.at[sl]], rows_v.at[sl], sem)
            )
        for c in copies:
            c.wait()
        pltpu.sync_copy(rows_v, out_hbm.at[pl.ds(base, _B_PER_W)])

    return gather_kernel(pair_ids, table2)


def _mlp_body(pair_ref, half_ref, par_ref, feat_ref, w1a_ref, w1b_ref, b1_ref,
              w2_ref, b2_ref, out_ref):
    x = pair_ref[...]
    h = half_ref[...]
    p = par_ref[...]
    lo_f = lax.bitcast_convert_type(lax.shift_left(x, 16), jnp.float32)
    hi_f = lax.bitcast_convert_type(
        jnp.bitwise_and(x, jnp.int32(-65536)), jnp.float32
    )
    sel = jnp.where(p > 0.0, hi_f, lo_f)
    emb = jnp.where(h > 0.0, sel[:, ID_DIM:], sel[:, :ID_DIM])
    z = jnp.dot(emb, w1a_ref[...], preferred_element_type=jnp.float32)
    z += lax.dot_general(
        feat_ref[...], w1b_ref[...], (((0,), (0,)), ((), ())),
        preferred_element_type=jnp.float32,
    )
    z = jnp.maximum(z + b1_ref[...], 0.0)
    out = jnp.dot(z, w2_ref[...], preferred_element_type=jnp.float32) + b2_ref[...]
    norm = jnp.sqrt(jnp.sum(out * out, axis=1, keepdims=True))
    out_ref[...] = out / jnp.maximum(norm, 1e-12)


_BB = 4096


def _mlp_tc(pairs, half, par, feats, w1a, w1b, b1, w2, b2):
    grid = (BATCH // _BB,)
    return pl.pallas_call(
        _mlp_body,
        grid=grid,
        in_specs=[
            pl.BlockSpec((_BB, 2 * ID_DIM), lambda i: (i, 0)),
            pl.BlockSpec((_BB, 1), lambda i: (i, 0)),
            pl.BlockSpec((_BB, 1), lambda i: (i, 0)),
            pl.BlockSpec((NUM_FEATS, _BB), lambda i: (0, i)),
            pl.BlockSpec((ID_DIM, HIDDEN), lambda i: (0, 0)),
            pl.BlockSpec((NUM_FEATS, HIDDEN), lambda i: (0, 0)),
            pl.BlockSpec((1, HIDDEN), lambda i: (0, 0)),
            pl.BlockSpec((HIDDEN, EMBED_DIM), lambda i: (0, 0)),
            pl.BlockSpec((1, EMBED_DIM), lambda i: (0, 0)),
        ],
        out_specs=pl.BlockSpec((_BB, EMBED_DIM), lambda i: (i, 0)),
        out_shape=jax.ShapeDtypeStruct((BATCH, EMBED_DIM), jnp.float32),
    )(pairs, half, par, feats, w1a, w1b, b1, w2, b2)


def kernel(customer_ids, numerical_features, emb_table, W1, b1, W2, b2):
    ids = customer_ids.astype(jnp.int32)
    table_t = emb_table.T
    table2 = _relayout_tc(table_t)
    quad_ids = (ids // _RL) * (_RL // 4) + ids % (_RL // 4)
    half = ((ids % (_RL // 2)) >= _RL // 4).astype(jnp.float32).reshape(BATCH, 1)
    par = ((ids % _RL) >= _RL // 2).astype(jnp.float32).reshape(BATCH, 1)
    pairs = _gather_pairs_sc(quad_ids, table2)
    w1a = W1[:ID_DIM]
    w1b = W1[ID_DIM:]
    return _mlp_tc(
        pairs,
        half,
        par,
        numerical_features.T,
        w1a,
        w1b,
        b1.reshape(1, HIDDEN),
        W2,
        b2.reshape(1, EMBED_DIM),
    )

# --- scband reference (transcript-rebuilt; emitter-appended) ---
"""Pipeline reference for scband-customer-encoder-73907797230241 (READ-ONLY COPY).

The authoritative reference and input builder live on the scoring server;
editing this copy changes nothing except your own understanding.
"""

import jax, jax.numpy as jnp
import numpy as np

NUM_CUSTOMERS = 1000000
EMBED_DIM = 128
ID_DIM = EMBED_DIM // 2  # 64
NUM_FEATS = 20
BATCH = 16384
HIDDEN = 128

def setup_inputs(seed: int = 0) -> dict:
    key = jax.random.key(seed)
    k1, k2, k3, k4, k5, k6, k7 = jax.random.split(key, 7)
    customer_ids = jax.random.randint(k1, (BATCH,), 0, NUM_CUSTOMERS, dtype=jnp.int64 if jax.config.jax_enable_x64 else jnp.int32)
    numerical_features = jax.random.normal(k2, (BATCH, NUM_FEATS), dtype=jnp.float32)
    # learned params
    emb_table = jax.random.normal(k3, (NUM_CUSTOMERS, ID_DIM), dtype=jnp.float32)
    fan_in1 = ID_DIM + NUM_FEATS
    W1 = jax.random.uniform(k4, (fan_in1, HIDDEN), minval=-1.0/np.sqrt(fan_in1), maxval=1.0/np.sqrt(fan_in1), dtype=jnp.float32)
    b1 = jax.random.uniform(k5, (HIDDEN,), minval=-1.0/np.sqrt(fan_in1), maxval=1.0/np.sqrt(fan_in1), dtype=jnp.float32)
    W2 = jax.random.uniform(k6, (HIDDEN, EMBED_DIM), minval=-1.0/np.sqrt(HIDDEN), maxval=1.0/np.sqrt(HIDDEN), dtype=jnp.float32)
    b2 = jax.random.uniform(k7, (EMBED_DIM,), minval=-1.0/np.sqrt(HIDDEN), maxval=1.0/np.sqrt(HIDDEN), dtype=jnp.float32)
    return {"customer_ids": customer_ids, "numerical_features": numerical_features,
            "emb_table": emb_table, "W1": W1, "b1": b1, "W2": W2, "b2": b2}

def reference(customer_ids, numerical_features, emb_table, W1, b1, W2, b2):
    # embedding lookup (SparseCore gather)
    cust_emb = jnp.take(emb_table, customer_ids, axis=0)
    combined = jnp.concatenate([cust_emb, numerical_features], axis=1)
    h = jax.nn.relu(combined @ W1 + b1)
    # dropout is identity in eval mode
    out = h @ W2 + b2
    # F.normalize(p=2, dim=1, eps=1e-12)
    norm = jnp.linalg.norm(out, ord=2, axis=1, keepdims=True)
    out = out / jnp.maximum(norm, 1e-12)
    return out

if __name__ == "__main__":
    import jax
    _d = setup_inputs()
    print(jax.jit(kernel)(*tuple(_d.values())))

</pallas_src>

<mosaic_0001>
#map = affine_map<(d0, d1) -> (0)>
#map1 = affine_map<(d0, d1) -> (0, 0)>
module attributes {stable_mosaic.version = 14 : i64} {
  func.func @gather_kernel(%arg0: i32, %arg1: i32, %arg2: memref<16384xi32, #tpu.memory_space<hbm>>, %arg3: memref<253952x128xi32, #tpu.memory_space<hbm>>, %arg4: memref<16384x128xi32, #tpu.memory_space<hbm>>, %arg5: memref<512xi32, #tpu.memory_space<vmem>>, %arg6: memref<512x128xi32, #tpu.memory_space<vmem>>, %arg7: memref<!tpu.dma_semaphore, #tpu.memory_space<semaphore_mem>>) attributes {dimension_semantics = [#tpu.dimension_semantics<core_parallel>, #tpu.dimension_semantics<subcore_parallel>], iteration_bounds = array<i64: 2, 16>, scalar_prefetch = 0 : i64, scratch_operands = 3 : i64, tpu.core_type = #tpu.core_type<sc_vector_subcore>, window_params = [{transform_indices = #map}, {transform_indices = #map1}, {transform_indices = #map1}]} {
    %mul3A = arith.constant 2 : i32
    %mul3A_0 = arith.muli %arg1, %mul3A : i32
    %add3A = arith.addi %mul3A_0, %arg0 : i32
    %mul3A_1 = arith.constant 512 : i32
    %mul3A_2 = arith.muli %add3A, %mul3A_1 : i32
    "tpu.region"() ({
      %run_scoped3A = tpu.sem_alloc : memref<!tpu.dma_semaphore, #tpu.memory_space<semaphore_mem>>
      %dma_start3A_65 = tpu.memref_slice %arg2[%mul3A_2] : memref<16384xi32, #tpu.memory_space<hbm>> -> memref<512xi32, #tpu.memory_space<hbm>>
      %dma_start3A_66 = tpu.memref_slice %arg2[%mul3A_2] : memref<16384xi32, #tpu.memory_space<hbm>> -> memref<512xi32, #tpu.memory_space<hbm>>
      tpu.enqueue_dma source(%dma_start3A_66 : memref<512xi32, #tpu.memory_space<hbm>>) target(%arg5 : memref<512xi32, #tpu.memory_space<vmem>>) target_semaphore(%run_scoped3A : memref<!tpu.dma_semaphore, #tpu.memory_space<semaphore_mem>>)
      %dma_wait3A_67 = tpu.memref_slice %arg2[%mul3A_2] : memref<16384xi32, #tpu.memory_space<hbm>> -> memref<512xi32, #tpu.memory_space<hbm>>
      %dma_wait3A_68 = tpu.memref_slice %arg2[%mul3A_2] : memref<16384xi32, #tpu.memory_space<hbm>> -> memref<512xi32, #tpu.memory_space<hbm>>
      tpu.wait_dma2 semaphore(%run_scoped3A : memref<!tpu.dma_semaphore, #tpu.memory_space<semaphore_mem>>) src(%dma_wait3A_68 : memref<512xi32, #tpu.memory_space<hbm>>) dst(%arg5 : memref<512xi32, #tpu.memory_space<vmem>>)
      tpu.yield
    }) : () -> ()
    %dma_start3A = arith.constant 0 : i32
    %dma_start3A_3 = arith.constant 0 : i32
    %dma_start3A_4 = tpu.memref_slice %arg6[%dma_start3A, %dma_start3A_3] : memref<512x128xi32, #tpu.memory_space<vmem>> -> memref<128x128xi32, #tpu.memory_space<vmem>>
    %dma_start3A_5 = arith.constant 0 : i32
    %dma_start3A_6 = tpu.memref_slice %arg5[%dma_start3A_5] : memref<512xi32, #tpu.memory_space<vmem>> -> memref<128xi32, #tpu.memory_space<vmem>>
    %dma_start3A_7 = arith.constant 0 : i32
    %dma_start3A_8 = arith.constant 0 : i32
    %dma_start3A_9 = tpu.memref_slice %arg3[%dma_start3A_7, %dma_start3A_8] : memref<253952x128xi32, #tpu.memory_space<hbm>> -> memref<253952x128xi32, #tpu.memory_space<hbm>>
    tpu.enqueue_indirect_dma source(%dma_start3A_9 : memref<253952x128xi32, #tpu.memory_space<hbm>>) target(%dma_start3A_4 : memref<128x128xi32, #tpu.memory_space<vmem>>) offsets(%dma_start3A_6 : memref<128xi32, #tpu.memory_space<vmem>>) semaphore(%arg7 : memref<!tpu.dma_semaphore, #tpu.memory_space<semaphore_mem>>)
    %dma_start3A_10 = arith.constant 128 : i32
    %dma_start3A_11 = arith.constant 0 : i32
    %dma_start3A_12 = tpu.memref_slice %arg6[%dma_start3A_10, %dma_start3A_11] : memref<512x128xi32, #tpu.memory_space<vmem>> -> memref<128x128xi32, #tpu.memory_space<vmem>>
    %dma_start3A_13 = arith.constant 128 : i32
    %dma_start3A_14 = tpu.memref_slice %arg5[%dma_start3A_13] : memref<512xi32, #tpu.memory_space<vmem>> -> memref<128xi32, #tpu.memory_space<vmem>>
    %dma_start3A_15 = arith.constant 0 : i32
    %dma_start3A_16 = arith.constant 0 : i32
    %dma_start3A_17 = tpu.memref_slice %arg3[%dma_start3A_15, %dma_start3A_16] : memref<253952x128xi32, #tpu.memory_space<hbm>> -> memref<253952x128xi32, #tpu.memory_space<hbm>>
    tpu.enqueue_indirect_dma source(%dma_start3A_17 : memref<253952x128xi32, #tpu.memory_space<hbm>>) target(%dma_start3A_12 : memref<128x128xi32, #tpu.memory_space<vmem>>) offsets(%dma_start3A_14 : memref<128xi32, #tpu.memory_space<vmem>>) semaphore(%arg7 : memref<!tpu.dma_semaphore, #tpu.memory_space<semaphore_mem>>)
    %dma_start3A_18 = arith.constant 256 : i32
    %dma_start3A_19 = arith.constant 0 : i32
    %dma_start3A_20 = tpu.memref_slice %arg6[%dma_start3A_18, %dma_start3A_19] : memref<512x128xi32, #tpu.memory_space<vmem>> -> memref<128x128xi32, #tpu.memory_space<vmem>>
    %dma_start3A_21 = arith.constant 256 : i32
    %dma_start3A_22 = tpu.memref_slice %arg5[%dma_start3A_21] : memref<512xi32, #tpu.memory_space<vmem>> -> memref<128xi32, #tpu.memory_space<vmem>>
    %dma_start3A_23 = arith.constant 0 : i32
    %dma_start3A_24 = arith.constant 0 : i32
    %dma_start3A_25 = tpu.memref_slice %arg3[%dma_start3A_23, %dma_start3A_24] : memref<253952x128xi32, #tpu.memory_space<hbm>> -> memref<253952x128xi32, #tpu.memory_space<hbm>>
    tpu.enqueue_indirect_dma source(%dma_start3A_25 : memref<253952x128xi32, #tpu.memory_space<hbm>>) target(%dma_start3A_20 : memref<128x128xi32, #tpu.memory_space<vmem>>) offsets(%dma_start3A_22 : memref<128xi32, #tpu.memory_space<vmem>>) semaphore(%arg7 : memref<!tpu.dma_semaphore, #tpu.memory_space<semaphore_mem>>)
    %dma_start3A_26 = arith.constant 384 : i32
    %dma_start3A_27 = arith.constant 0 : i32
    %dma_start3A_28 = tpu.memref_slice %arg6[%dma_start3A_26, %dma_start3A_27] : memref<512x128xi32, #tpu.memory_space<vmem>> -> memref<128x128xi32, #tpu.memory_space<vmem>>
    %dma_start3A_29 = arith.constant 384 : i32
    %dma_start3A_30 = tpu.memref_slice %arg5[%dma_start3A_29] : memref<512xi32, #tpu.memory_space<vmem>> -> memref<128xi32, #tpu.memory_space<vmem>>
    %dma_start3A_31 = arith.constant 0 : i32
    %dma_start3A_32 = arith.constant 0 : i32
    %dma_start3A_33 = tpu.memref_slice %arg3[%dma_start3A_31, %dma_start3A_32] : memref<253952x128xi32, #tpu.memory_space<hbm>> -> memref<253952x128xi32, #tpu.memory_space<hbm>>
    tpu.enqueue_indirect_dma source(%dma_start3A_33 : memref<253952x128xi32, #tpu.memory_space<hbm>>) target(%dma_start3A_28 : memref<128x128xi32, #tpu.memory_space<vmem>>) offsets(%dma_start3A_30 : memref<128xi32, #tpu.memory_space<vmem>>) semaphore(%arg7 : memref<!tpu.dma_semaphore, #tpu.memory_space<semaphore_mem>>)
    %dma_wait3A = arith.constant 0 : i32
    %dma_wait3A_34 = arith.constant 0 : i32
    %dma_wait3A_35 = tpu.memref_slice %arg6[%dma_wait3A, %dma_wait3A_34] : memref<512x128xi32, #tpu.memory_space<vmem>> -> memref<128x128xi32, #tpu.memory_space<vmem>>
    %dma_wait3A_36 = arith.constant 0 : i32
    %dma_wait3A_37 = tpu.memref_slice %arg5[%dma_wait3A_36] : memref<512xi32, #tpu.memory_space<vmem>> -> memref<128xi32, #tpu.memory_space<vmem>>
    %dma_wait3A_38 = arith.constant 0 : i32
    %dma_wait3A_39 = arith.constant 0 : i32
    %dma_wait3A_40 = tpu.memref_slice %arg3[%dma_wait3A_38, %dma_wait3A_39] : memref<253952x128xi32, #tpu.memory_space<hbm>> -> memref<253952x128xi32, #tpu.memory_space<hbm>>
    tpu.wait_indirect_dma semaphore(%arg7 : memref<!tpu.dma_semaphore, #tpu.memory_space<semaphore_mem>>) src(%dma_wait3A_40 : memref<253952x128xi32, #tpu.memory_space<hbm>>) dst(%dma_wait3A_35 : memref<128x128xi32, #tpu.memory_space<vmem>>)
    %dma_wait3A_41 = arith.constant 128 : i32
    %dma_wait3A_42 = arith.constant 0 : i32
    %dma_wait3A_43 = tpu.memref_slice %arg6[%dma_wait3A_41, %dma_wait3A_42] : memref<512x128xi32, #tpu.memory_space<vmem>> -> memref<128x128xi32, #tpu.memory_space<vmem>>
    %dma_wait3A_44 = arith.constant 128 : i32
    %dma_wait3A_45 = tpu.memref_slice %arg5[%dma_wait3A_44] : memref<512xi32, #tpu.memory_space<vmem>> -> memref<128xi32, #tpu.memory_space<vmem>>
    %dma_wait3A_46 = arith.constant 0 : i32
    %dma_wait3A_47 = arith.constant 0 : i32
    %dma_wait3A_48 = tpu.memref_slice %arg3[%dma_wait3A_46, %dma_wait3A_47] : memref<253952x128xi32, #tpu.memory_space<hbm>> -> memref<253952x128xi32, #tpu.memory_space<hbm>>
    tpu.wait_indirect_dma semaphore(%arg7 : memref<!tpu.dma_semaphore, #tpu.memory_space<semaphore_mem>>) src(%dma_wait3A_48 : memref<253952x128xi32, #tpu.memory_space<hbm>>) dst(%dma_wait3A_43 : memref<128x128xi32, #tpu.memory_space<vmem>>)
    %dma_wait3A_49 = arith.constant 256 : i32
    %dma_wait3A_50 = arith.constant 0 : i32
    %dma_wait3A_51 = tpu.memref_slice %arg6[%dma_wait3A_49, %dma_wait3A_50] : memref<512x128xi32, #tpu.memory_space<vmem>> -> memref<128x128xi32, #tpu.memory_space<vmem>>
    %dma_wait3A_52 = arith.constant 256 : i32
    %dma_wait3A_53 = tpu.memref_slice %arg5[%dma_wait3A_52] : memref<512xi32, #tpu.memory_space<vmem>> -> memref<128xi32, #tpu.memory_space<vmem>>
    %dma_wait3A_54 = arith.constant 0 : i32
    %dma_wait3A_55 = arith.constant 0 : i32
    %dma_wait3A_56 = tpu.memref_slice %arg3[%dma_wait3A_54, %dma_wait3A_55] : memref<253952x128xi32, #tpu.memory_space<hbm>> -> memref<253952x128xi32, #tpu.memory_space<hbm>>
    tpu.wait_indirect_dma semaphore(%arg7 : memref<!tpu.dma_semaphore, #tpu.memory_space<semaphore_mem>>) src(%dma_wait3A_56 : memref<253952x128xi32, #tpu.memory_space<hbm>>) dst(%dma_wait3A_51 : memref<128x128xi32, #tpu.memory_space<vmem>>)
    %dma_wait3A_57 = arith.constant 384 : i32
    %dma_wait3A_58 = arith.constant 0 : i32
    %dma_wait3A_59 = tpu.memref_slice %arg6[%dma_wait3A_57, %dma_wait3A_58] : memref<512x128xi32, #tpu.memory_space<vmem>> -> memref<128x128xi32, #tpu.memory_space<vmem>>
    %dma_wait3A_60 = arith.constant 384 : i32
    %dma_wait3A_61 = tpu.memref_slice %arg5[%dma_wait3A_60] : memref<512xi32, #tpu.memory_space<vmem>> -> memref<128xi32, #tpu.memory_space<vmem>>
    %dma_wait3A_62 = arith.constant 0 : i32
    %dma_wait3A_63 = arith.constant 0 : i32
    %dma_wait3A_64 = tpu.memref_slice %arg3[%dma_wait3A_62, %dma_wait3A_63] : memref<253952x128xi32, #tpu.memory_space<hbm>> -> memref<253952x128xi32, #tpu.memory_space<hbm>>
    tpu.wait_indirect_dma semaphore(%arg7 : memref<!tpu.dma_semaphore, #tpu.memory_space<semaphore_mem>>) src(%dma_wait3A_64 : memref<253952x128xi32, #tpu.memory_space<hbm>>) dst(%dma_wait3A_59 : memref<128x128xi32, #tpu.memory_space<vmem>>)
    "tpu.region"() ({
      %run_scoped3A = tpu.sem_alloc : memref<!tpu.dma_semaphore, #tpu.memory_space<semaphore_mem>>
      %dma_start3A_65 = arith.constant 0 : i32
      %dma_start3A_66 = tpu.memref_slice %arg4[%mul3A_2, %dma_start3A_65] : memref<16384x128xi32, #tpu.memory_space<hbm>> -> memref<512x128xi32, #tpu.memory_space<hbm>>
      %dma_start3A_67 = arith.constant 0 : i32
      %dma_start3A_68 = tpu.memref_slice %arg4[%mul3A_2, %dma_start3A_67] : memref<16384x128xi32, #tpu.memory_space<hbm>> -> memref<512x128xi32, #tpu.memory_space<hbm>>
      tpu.enqueue_dma source(%arg6 : memref<512x128xi32, #tpu.memory_space<vmem>>) target(%dma_start3A_68 : memref<512x128xi32, #tpu.memory_space<hbm>>) target_semaphore(%run_scoped3A : memref<!tpu.dma_semaphore, #tpu.memory_space<semaphore_mem>>)
      %dma_wait3A_69 = arith.constant 0 : i32
      %dma_wait3A_70 = tpu.memref_slice %arg4[%mul3A_2, %dma_wait3A_69] : memref<16384x128xi32, #tpu.memory_space<hbm>> -> memref<512x128xi32, #tpu.memory_space<hbm>>
      %dma_wait3A_71 = arith.constant 0 : i32
      %dma_wait3A_72 = tpu.memref_slice %arg4[%mul3A_2, %dma_wait3A_71] : memref<16384x128xi32, #tpu.memory_space<hbm>> -> memref<512x128xi32, #tpu.memory_space<hbm>>
      tpu.wait_dma2 semaphore(%run_scoped3A : memref<!tpu.dma_semaphore, #tpu.memory_space<semaphore_mem>>) src(%arg6 : memref<512x128xi32, #tpu.memory_space<vmem>>) dst(%dma_wait3A_72 : memref<512x128xi32, #tpu.memory_space<hbm>>)
      tpu.yield
    }) : () -> ()
    return
  }
}

module attributes {stable_mosaic.version = 14 : i64} {
  func.func @_relayout_body(%arg0: i32, %arg1: memref<64x32768xf32, #tpu.memory_space<vmem>>, %arg2: memref<8192x128xi32, #tpu.memory_space<vmem>>) attributes {dimension_semantics = [#tpu.dimension_semantics<arbitrary>], iteration_bounds = array<i64: 31>, scalar_prefetch = 0 : i64, scratch_operands = 0 : i64, tpu.core_type = #tpu.core_type<tc>, window_params = [{transform_indices = @transform_0, window_bounds = array<i64: 64, 32768>}, {transform_indices = @transform_1, window_bounds = array<i64: 8192, 128>}]} {
    %get3A = arith.constant 0 : index
    %get3A_0 = arith.constant 0 : index
    %get3A_1 = vector.load %arg1[%get3A, %get3A_0] : memref<64x32768xf32, #tpu.memory_space<vmem>>, vector<64x32768xf32>
    %convert_element_type3A = arith.truncf %get3A_1 : vector<64x32768xf32> to vector<64x32768xbf16>
    %bitcast_convert_type3A = tpu.bitcast %convert_element_type3A : vector<64x32768xbf16> -> vector<64x32768xi16>
    %convert_element_type3A_2 = arith.extui %bitcast_convert_type3A : vector<64x32768xi16> to vector<64x32768xi32>
    %slice3A = vector.extract_strided_slice %convert_element_type3A_2 {offsets = [0, 0], sizes = [64, 16384], strides = [1, 1]} : vector<64x32768xi32> to vector<64x16384xi32>
    %slice3A_3 = vector.extract_strided_slice %convert_element_type3A_2 {offsets = [0, 16384], sizes = [64, 16384], strides = [1, 1]} : vector<64x32768xi32> to vector<64x16384xi32>
    %shift_left3A = arith.constant 16 : i32
    %shift_left3A_4 = vector.broadcast %shift_left3A : i32 to vector<64x16384xi32>
    %shift_left3A_5 = arith.shli %slice3A_3, %shift_left3A_4 : vector<64x16384xi32>
    %or3A = arith.ori %slice3A, %shift_left3A_5 : vector<64x16384xi32>
    %bitcast_convert_type3A_6 = tpu.bitcast %or3A : vector<64x16384xi32> -> vector<64x16384xi32>
    %slice3A_7 = vector.extract_strided_slice %bitcast_convert_type3A_6 {offsets = [0, 0], sizes = [64, 8192], strides = [1, 1]} : vector<64x16384xi32> to vector<64x8192xi32>
    %transpose3A = tpu.transpose %slice3A_7, [1, 0] : vector<64x8192xi32> -> vector<8192x64xi32>
    %slice3A_8 = vector.extract_strided_slice %bitcast_convert_type3A_6 {offsets = [0, 8192], sizes = [64, 8192], strides = [1, 1]} : vector<64x16384xi32> to vector<64x8192xi32>
    %transpose3A_9 = tpu.transpose %slice3A_8, [1, 0] : vector<64x8192xi32> -> vector<8192x64xi32>
    %concatenate3A = tpu.concatenate %transpose3A, %transpose3A_9 in 1 : vector<8192x64xi32>, vector<8192x64xi32> -> vector<8192x128xi32>
    %swap3A = arith.constant 0 : index
    %swap3A_10 = arith.constant 0 : index
    %swap3A_11 = vector.load %arg2[%swap3A, %swap3A_10] : memref<8192x128xi32, #tpu.memory_space<vmem>>, vector<8192x128xi32>
    tpu.vector_store %arg2[%swap3A, %swap3A_10], %concatenate3A {strides = array<i32>} : memref<8192x128xi32, #tpu.memory_space<vmem>>, vector<8192x128xi32>,
    return
  }
  func.func @transform_0(%arg0: i32) -> (i32, i32) {
    %c0_i32 = arith.constant 0 : i32
    %c0_i32_0 = arith.constant 0 : i32
    return %c0_i32, %arg0 : i32, i32
  }
  func.func @transform_1(%arg0: i32) -> (i32, i32) {
    %c0_i32 = arith.constant 0 : i32
    %c0_i32_0 = arith.constant 0 : i32
    return %arg0, %c0_i32 : i32, i32
  }
}

module attributes {stable_mosaic.version = 14 : i64} {
  func.func @_mlp_body(%arg0: i32, %arg1: memref<4096x128xi32, #tpu.memory_space<vmem>>, %arg2: memref<4096x1xf32, #tpu.memory_space<vmem>>, %arg3: memref<4096x1xf32, #tpu.memory_space<vmem>>, %arg4: memref<20x4096xf32, #tpu.memory_space<vmem>>, %arg5: memref<64x128xf32, #tpu.memory_space<vmem>>, %arg6: memref<20x128xf32, #tpu.memory_space<vmem>>, %arg7: memref<1x128xf32, #tpu.memory_space<vmem>>, %arg8: memref<128x128xf32, #tpu.memory_space<vmem>>, %arg9: memref<1x128xf32, #tpu.memory_space<vmem>>, %arg10: memref<4096x128xf32, #tpu.memory_space<vmem>>) attributes {dimension_semantics = [#tpu.dimension_semantics<arbitrary>], iteration_bounds = array<i64: 4>, scalar_prefetch = 0 : i64, scratch_operands = 0 : i64, tpu.core_type = #tpu.core_type<tc>, window_params = [{transform_indices = @transform_0, window_bounds = array<i64: 4096, 128>}, {transform_indices = @transform_1, window_bounds = array<i64: 4096, 1>}, {transform_indices = @transform_2, window_bounds = array<i64: 4096, 1>}, {transform_indices = @transform_3, window_bounds = array<i64: 20, 4096>}, {pipeline_mode = #tpu.pipeline_mode<synchronous>, transform_indices = @transform_4, window_bounds = array<i64: 64, 128>}, {pipeline_mode = #tpu.pipeline_mode<synchronous>, transform_indices = @transform_5, window_bounds = array<i64: 20, 128>}, {pipeline_mode = #tpu.pipeline_mode<synchronous>, transform_indices = @transform_6, window_bounds = array<i64: 1, 128>}, {pipeline_mode = #tpu.pipeline_mode<synchronous>, transform_indices = @transform_7, window_bounds = array<i64: 128, 128>}, {pipeline_mode = #tpu.pipeline_mode<synchronous>, transform_indices = @transform_8, window_bounds = array<i64: 1, 128>}, {transform_indices = @transform_9, window_bounds = array<i64: 4096, 128>}]} {
    %get3A = arith.constant 0 : index
    %get3A_0 = arith.constant 0 : index
    %get3A_1 = vector.load %arg1[%get3A, %get3A_0] : memref<4096x128xi32, #tpu.memory_space<vmem>>, vector<4096x128xi32>
    %get3A_2 = arith.constant 0 : index
    %get3A_3 = arith.constant 0 : index
    %get3A_4 = vector.load %arg2[%get3A_2, %get3A_3] : memref<4096x1xf32, #tpu.memory_space<vmem>>, vector<4096x1xf32>
    %get3A_5 = arith.constant 0 : index
    %get3A_6 = arith.constant 0 : index
    %get3A_7 = vector.load %arg3[%get3A_5, %get3A_6] : memref<4096x1xf32, #tpu.memory_space<vmem>>, vector<4096x1xf32>
    %shift_left3A = arith.constant 16 : i32
    %shift_left3A_8 = vector.broadcast %shift_left3A : i32 to vector<4096x128xi32>
    %shift_left3A_9 = arith.shli %get3A_1, %shift_left3A_8 : vector<4096x128xi32>
    %bitcast_convert_type3A = tpu.bitcast %shift_left3A_9 : vector<4096x128xi32> -> vector<4096x128xf32>
    %and3A = arith.constant -65536 : i32
    %and3A_10 = vector.broadcast %and3A : i32 to vector<4096x128xi32>
    %and3A_11 = arith.andi %get3A_1, %and3A_10 : vector<4096x128xi32>
    %bitcast_convert_type3A_12 = tpu.bitcast %and3A_11 : vector<4096x128xi32> -> vector<4096x128xf32>
    %gt3A = arith.constant 0.000000e+00 : f32
    %gt3A_13 = vector.broadcast %gt3A : f32 to vector<4096x1xf32>
    %gt3A_14 = arith.cmpf ogt, %get3A_7, %gt3A_13 : vector<4096x1xf32>
    %broadcast_in_dim3A = vector.shape_cast %gt3A_14 : vector<4096x1xi1> to vector<4096x1xi1>
    %broadcast_in_dim3A_15 = vector.broadcast %broadcast_in_dim3A : vector<4096x1xi1> to vector<4096x128xi1>
    %select_n3A = arith.select %broadcast_in_dim3A_15, %bitcast_convert_type3A_12, %bitcast_convert_type3A : vector<4096x128xi1>, vector<4096x128xf32>
    %gt3A_16 = arith.constant 0.000000e+00 : f32
    %gt3A_17 = vector.broadcast %gt3A_16 : f32 to vector<4096x1xf32>
    %gt3A_18 = arith.cmpf ogt, %get3A_4, %gt3A_17 : vector<4096x1xf32>
    %slice3A = vector.extract_strided_slice %select_n3A {offsets = [0, 64], sizes = [4096, 64], strides = [1, 1]} : vector<4096x128xf32> to vector<4096x64xf32>
    %slice3A_19 = vector.extract_strided_slice %select_n3A {offsets = [0, 0], sizes = [4096, 64], strides = [1, 1]} : vector<4096x128xf32> to vector<4096x64xf32>
    %broadcast_in_dim3A_20 = vector.shape_cast %gt3A_18 : vector<4096x1xi1> to vector<4096x1xi1>
    %broadcast_in_dim3A_21 = vector.broadcast %broadcast_in_dim3A_20 : vector<4096x1xi1> to vector<4096x64xi1>
    %select_n3A_22 = arith.select %broadcast_in_dim3A_21, %slice3A, %slice3A_19 : vector<4096x64xi1>, vector<4096x64xf32>
    %get3A_23 = arith.constant 0 : index
    %get3A_24 = arith.constant 0 : index
    %get3A_25 = vector.load %arg5[%get3A_23, %get3A_24] : memref<64x128xf32, #tpu.memory_space<vmem>>, vector<64x128xf32>
    %dot_general3A = arith.constant dense<0.000000e+00> : vector<4096x128xf32>
    %dot_general3A_26 = tpu.matmul %select_n3A_22, %get3A_25, %dot_general3A {dimension_numbers = #tpu.dot_dimension_numbers<[1], [0], [0], [1], [0, 0, 1, 1], [], []>, transpose_lhs_hint = false} : vector<4096x64xf32>, vector<64x128xf32>, vector<4096x128xf32> -> vector<4096x128xf32>
    %get3A_27 = arith.constant 0 : index
    %get3A_28 = arith.constant 0 : index
    %get3A_29 = vector.load %arg4[%get3A_27, %get3A_28] : memref<20x4096xf32, #tpu.memory_space<vmem>>, vector<20x4096xf32>
    %get3A_30 = arith.constant 0 : index
    %get3A_31 = arith.constant 0 : index
    %get3A_32 = vector.load %arg6[%get3A_30, %get3A_31] : memref<20x128xf32, #tpu.memory_space<vmem>>, vector<20x128xf32>
    %dot_general3A_33 = arith.constant dense<0.000000e+00> : vector<4096x128xf32>
    %dot_general3A_34 = tpu.matmul %get3A_29, %get3A_32, %dot_general3A_33 {dimension_numbers = #tpu.dot_dimension_numbers<[0], [0], [1], [1], [0, 1, 1, 1], [], []>, transpose_lhs_hint = false} : vector<20x4096xf32>, vector<20x128xf32>, vector<4096x128xf32> -> vector<4096x128xf32>
    %add3A = arith.addf %dot_general3A_26, %dot_general3A_34 : vector<4096x128xf32>
    %get3A_35 = arith.constant 0 : index
    %get3A_36 = arith.constant 0 : index
    %get3A_37 = vector.load %arg7[%get3A_35, %get3A_36] : memref<1x128xf32, #tpu.memory_space<vmem>>, vector<1x128xf32>
    %add3A_38 = vector.broadcast %get3A_37 : vector<1x128xf32> to vector<4096x128xf32>
    %add3A_39 = arith.addf %add3A, %add3A_38 : vector<4096x128xf32>
    %max3A = arith.constant 0.000000e+00 : f32
    %max3A_40 = vector.broadcast %max3A : f32 to vector<4096x128xf32>
    %max3A_41 = arith.maximumf %add3A_39, %max3A_40 : vector<4096x128xf32>
    %get3A_42 = arith.constant 0 : index
    %get3A_43 = arith.constant 0 : index
    %get3A_44 = vector.load %arg8[%get3A_42, %get3A_43] : memref<128x128xf32, #tpu.memory_space<vmem>>, vector<128x128xf32>
    %dot_general3A_45 = arith.constant dense<0.000000e+00> : vector<4096x128xf32>
    %dot_general3A_46 = tpu.matmul %max3A_41, %get3A_44, %dot_general3A_45 {dimension_numbers = #tpu.dot_dimension_numbers<[1], [0], [0], [1], [0, 0, 1, 1], [], []>, transpose_lhs_hint = false} : vector<4096x128xf32>, vector<128x128xf32>, vector<4096x128xf32> -> vector<4096x128xf32>
    %get3A_47 = arith.constant 0 : index
    %get3A_48 = arith.constant 0 : index
    %get3A_49 = vector.load %arg9[%get3A_47, %get3A_48] : memref<1x128xf32, #tpu.memory_space<vmem>>, vector<1x128xf32>
    %add3A_50 = vector.broadcast %get3A_49 : vector<1x128xf32> to vector<4096x128xf32>
    %add3A_51 = arith.addf %dot_general3A_46, %add3A_50 : vector<4096x128xf32>
    %mul3A = arith.mulf %add3A_51, %add3A_51 : vector<4096x128xf32>
    %reduce_sum3A = arith.constant dense<0.000000e+00> : vector<4096xf32>
    %reduce_sum3A_52 = vector.multi_reduction <add>, %mul3A, %reduce_sum3A [1] : vector<4096x128xf32> to vector<4096xf32>
    %broadcast_in_dim3A_53 = vector.shape_cast %reduce_sum3A_52 : vector<4096xf32> to vector<4096x1xf32>
    %sqrt3A = math.sqrt %broadcast_in_dim3A_53 : vector<4096x1xf32>
    %max3A_54 = arith.constant 9.99999996E-13 : f32
    %max3A_55 = vector.broadcast %max3A_54 : f32 to vector<4096x1xf32>
    %max3A_56 = arith.maximumf %sqrt3A, %max3A_55 : vector<4096x1xf32>
    %div3A = vector.broadcast %max3A_56 : vector<4096x1xf32> to vector<4096x128xf32>
    %div3A_57 = arith.divf %add3A_51, %div3A : vector<4096x128xf32>
    %swap3A = arith.constant 0 : index
    %swap3A_58 = arith.constant 0 : index
    %swap3A_59 = vector.load %arg10[%swap3A, %swap3A_58] : memref<4096x128xf32, #tpu.memory_space<vmem>>, vector<4096x128xf32>
    tpu.vector_store %arg10[%swap3A, %swap3A_58], %div3A_57 {strides = array<i32>} : memref<4096x128xf32, #tpu.memory_space<vmem>>, vector<4096x128xf32>,
    return
  }
  func.func @transform_0(%arg0: i32) -> (i32, i32) {
    %c0_i32 = arith.constant 0 : i32
    %c0_i32_0 = arith.constant 0 : i32
    return %arg0, %c0_i32 : i32, i32
  }
  func.func @transform_1(%arg0: i32) -> (i32, i32) {
    %c0_i32 = arith.constant 0 : i32
    %c0_i32_0 = arith.constant 0 : i32
    return %arg0, %c0_i32 : i32, i32
  }
  func.func @transform_2(%arg0: i32) -> (i32, i32) {
    %c0_i32 = arith.constant 0 : i32
    %c0_i32_0 = arith.constant 0 : i32
    return %arg0, %c0_i32 : i32, i32
  }
  func.func @transform_3(%arg0: i32) -> (i32, i32) {
    %c0_i32 = arith.constant 0 : i32
    %c0_i32_0 = arith.constant 0 : i32
    return %c0_i32, %arg0 : i32, i32
  }
  func.func @transform_4(%arg0: i32) -> (i32, i32) {
    %c0_i32 = arith.constant 0 : i32
    %c0_i32_0 = arith.constant 0 : i32
    %c0_i32_1 = arith.constant 0 : i32
    return %c0_i32, %c0_i32_0 : i32, i32
  }
  func.func @transform_5(%arg0: i32) -> (i32, i32) {
    %c0_i32 = arith.constant 0 : i32
    %c0_i32_0 = arith.constant 0 : i32
    %c0_i32_1 = arith.constant 0 : i32
    return %c0_i32, %c0_i32_0 : i32, i32
  }
  func.func @transform_6(%arg0: i32) -> (i32, i32) {
    %c0_i32 = arith.constant 0 : i32
    %c0_i32_0 = arith.constant 0 : i32
    %c0_i32_1 = arith.constant 0 : i32
    return %c0_i32, %c0_i32_0 : i32, i32
  }
  func.func @transform_7(%arg0: i32) -> (i32, i32) {
    %c0_i32 = arith.constant 0 : i32
    %c0_i32_0 = arith.constant 0 : i32
    %c0_i32_1 = arith.constant 0 : i32
    return %c0_i32, %c0_i32_0 : i32, i32
  }
  func.func @transform_8(%arg0: i32) -> (i32, i32) {
    %c0_i32 = arith.constant 0 : i32
    %c0_i32_0 = arith.constant 0 : i32
    %c0_i32_1 = arith.constant 0 : i32
    return %c0_i32, %c0_i32_0 : i32, i32
  }
  func.func @transform_9(%arg0: i32) -> (i32, i32) {
    %c0_i32 = arith.constant 0 : i32
    %c0_i32_0 = arith.constant 0 : i32
    return %arg0, %c0_i32 : i32, i32
  }
}

</mosaic_0001>

<sc_bundles>
// kernel: kernel.5.cloned.1.call-start
scs
__scs_entry_jumppad:
0x0: {  	(pc) =	sbr.rel $0x88, $3  }
0x1: {  	(tag) =	ssettag $0x0;
	lr =	simm.s32 $0x1  }
0x2: {  	[smem:$0x3F9A] =	sst lr;
	_ =	strace $0xD0000000  }
0x3: {  	_ = 	snop  }
0x4: {  	_ = 	snop  }
0x5: {  	_ = 	snop  }
0x6: {  	_ = 	snop  }
0x7: {  	_ = 	snop  }
__scs_overlays_trampoline_lowered:
0x8: {  	[smem:$0x3FA9] =	sst s0  }
0x9: {  	[smem:$0x3FAA] =	sst s1  }
0xa: {  	[smem:$0x3FAB] =	sst s2  }
0xb: {  	[smem:$0x3FAC] =	sst s3  }
0xc: {  	[smem:$0x3FAD] =	sst s4  }
0xd: {  	[smem:$0x3FAE] =	sst s5  }
0xe: {  	[smem:$0x3FAF] =	sst s6  }
0xf: {  	[smem:$0x3FB0] =	sst s7  }
0x10: {  	[smem:$0x3FB1] =	sst s8  }
0x11: {  	[smem:$0x3FB2] =	sst s9;
	s0 =	simm.s32 @!p0 $0x0  }
0x12: {  	s1 =	sld [smem:$0x3F98];
	s0 =	simm.s32 @p0 $0x1  }
0x13: {  	[smem:$0x3FB3] =	sst s0;
	s0 =	simm.s32 @!p1 $0x0  }
0x14: {  	s2 =	sld [smem:$0x3F97];
	s0 =	simm.s32 @p1 $0x1  }
0x15: {  	[smem:$0x3FB4] =	sst s0;
	s0 =	simm.s32 @!p2 $0x0  }
0x16: {  	s3 =	sld [smem:$0x3FDB];
	s0 =	simm.s32 @p2 $0x1  }
0x17: {  	s4 =	simm.s32 $0x1BF5;
	[smem:$0x3FB6] =	sst s0  }
0x18: {  	s0 =	sld [smem:$0x3F99];
	_ =	swait.ge [sflag:s4], $0x0  }
0x19: {  	s7 =	sld [smem:$0x3F9A]  }
0x1a: {  	s8 =	sadd.s32 $0xFFFFE003, lr  }
0x1b: {  	s9 =	sadd.s32 $0xFFFFFEF7, lr;
	s5 =	simm.s32 $0xFFFFFFFF;
	p2 =	slt.u32 s8, $0xFFFFF086  }
0x1c: {  	p1 =	slt.u32 s9, $0xF7A;
	s5 =	simm.s32 @!p2 $0x0  }
0x1d: {  	s5 =	simm.s32 @p1 $0x1;
	p0 =	seq.s32 s7, s2  }
0x1e: {  	s7 =	smul.u32 @!p0 $0xF7A, s2;
	p2 =	seq.s32 @!p0 s5, $0x0  }
0x1f: {  	s9 =	smul.u32 $0xF7A, s1;
	s8 =	simm.s32 @!p0 $0x1BF5;
	p2 =	por !p2, p0  }
0x20: {  	[sflag:s8] =	ssyncset.s32 @!p0 $0xFFFFF086;
	s6 =	sadd.s32 @!p0 s3, s7;
	s7 =	simm.s32 @!p0 $0x108  }
0x21: {  	s3 =	sadd.s32 s3, s9;
	s6 =	sadd.s32 @!p0 $0x88, s6;
	s7 =	simm.s32 @p2 $0x1082  }
0x22: {  	[simem:s7], [sflag:s8] =	dma.local @!p0 [hbm:s6], $0xF7A  }
0x23: {  	s9 =	sor.u32 $0xD0000000, s2;
	s6 =	simm.s32 $0x108;
	_ =	swait.ge @!p0 [sflag:s8], $0x0  }
0x24: {  	s3 =	sadd.s32 $0x88, s3;
	s6 =	simm.s32 @!p1 $0x1082;
	[sflag:s4] =	ssyncset.s32 $0xFFFFF086  }
0x25: {  	[simem:s6], [sflag:s4] =	dma.local [hbm:s3], $0xF7A  }
0x26: {  	[smem:$0x3F9A] =	sst s1;
	(tag) =	ssettag s2;
	_ =	strace s9  }
0x27: {  	s1 =	sld [smem:$0x3FAA]  }
0x28: {  	s2 =	sld [smem:$0x3FAB]  }
0x29: {  	s4 =	sld [smem:$0x3FAD]  }
0x2a: {  	p0 =	seq.s32 s5, $0x0;
	s5 =	sld [smem:$0x3FAE]  }
0x2b: {  	s6 =	sld [smem:$0x3FAF]  }
0x2c: {  	s7 =	sld [smem:$0x3FB0]  }
0x2d: {  	s3 =	simm.s32 $0x108;
	s8 =	sld [smem:$0x3FB1]  }
0x2e: {  	s3 =	simm.s32 @!p0 $0x1082;
	s9 =	sld [smem:$0x3FB2]  }
0x2f: {  	lr =	sadd.s32 s0, s3;
	s0 =	sld [smem:$0x3FA9]  }
0x30: {  	s3 =	sld [smem:$0x3FAC]  }
0x31: {  	[smem:$0x3FB5] =	sst s10  }
0x32: {  	s10 =	sld [smem:$0x3FB3];
	_ =	sdelay $0x3  }
0x33: {  	p0 =	seq.s32 s10, $0x1;
	s10 =	sld [smem:$0x3FB5];
	_ =	sdelay $0x3  }
0x34: {  	[smem:$0x3FB5] =	sst s10  }
0x35: {  	s10 =	sld [smem:$0x3FB4];
	_ =	sdelay $0x3  }
0x36: {  	p1 =	seq.s32 s10, $0x1;
	s10 =	sld [smem:$0x3FB5];
	_ =	sdelay $0x3  }
0x37: {  	[smem:$0x3FB5] =	sst s10  }
0x38: {  	s10 =	sld [smem:$0x3FB6]  }
0x39: {  	_ = 	snop;
	(pc) =	sbr.ind lr, $3  }
0x3a: {  	_ = 	snop  }
0x3b: {  	_ = 	snop  }
0x3c: {  	p2 =	seq.s32 s10, $0x1;
	s10 =	sld [smem:$0x3FB5]  }
0x3d: {  	_ =	shalt  }
0x3e: {  	_ =	shalt  }
0x3f: {  	_ =	shalt  }
0x40: {  	_ =	shalt  }
0x41: {  	_ =	shalt  }
0x42: {  	_ =	shalt  }
0x43: {  	_ =	shalt  }
0x44: {  	_ =	shalt  }
0x45: {  	_ =	shalt  }
0x46: {  	_ =	shalt  }
0x47: {  	_ =	shalt  }
0x48: {  	_ =	shalt  }
0x49: {  	_ =	shalt  }
0x4a: {  	_ =	shalt  }
0x4b: {  	_ =	shalt  }
0x4c: {  	_ =	shalt  }
0x4d: {  	_ =	shalt  }
0x4e: {  	_ =	shalt  }
0x4f: {  	_ =	shalt  }
0x50: {  	_ =	shalt  }
0x51: {  	_ =	shalt  }
0x52: {  	_ =	shalt  }
0x53: {  	_ =	shalt  }
0x54: {  	_ =	shalt  }
0x55: {  	_ =	shalt  }
0x56: {  	_ =	shalt  }
0x57: {  	_ =	shalt  }
0x58: {  	_ =	shalt  }
0x59: {  	_ =	shalt  }
0x5a: {  	_ =	shalt  }
0x5b: {  	_ =	shalt  }
0x5c: {  	_ =	shalt  }
0x5d: {  	_ =	shalt  }
0x5e: {  	_ =	shalt  }
0x5f: {  	_ =	shalt  }
0x60: {  	_ =	shalt  }
0x61: {  	_ =	shalt  }
0x62: {  	_ =	shalt  }
0x63: {  	_ =	shalt  }
0x64: {  	_ =	shalt  }
0x65: {  	_ =	shalt  }
0x66: {  	_ =	shalt  }
0x67: {  	_ =	shalt  }
0x68: {  	_ =	shalt  }
0x69: {  	_ =	shalt  }
0x6a: {  	_ =	shalt  }
0x6b: {  	_ =	shalt  }
0x6c: {  	_ =	shalt  }
0x6d: {  	_ =	shalt  }
0x6e: {  	_ =	shalt  }
0x6f: {  	_ =	shalt  }
0x70: {  	_ =	shalt  }
0x71: {  	_ =	shalt  }
0x72: {  	_ =	shalt  }
0x73: {  	_ =	shalt  }
0x74: {  	_ =	shalt  }
0x75: {  	_ =	shalt  }
0x76: {  	_ =	shalt  }
0x77: {  	_ =	shalt  }
0x78: {  	_ =	shalt  }
0x79: {  	_ =	shalt  }
0x7a: {  	_ =	shalt  }
0x7b: {  	_ =	shalt  }
0x7c: {  	_ =	shalt  }
0x7d: {  	_ =	shalt  }
0x7e: {  	_ =	shalt  }
0x7f: {  	_ =	shalt  }
0x80: {  	_ =	shalt  }
0x81: {  	_ =	shalt  }
0x82: {  	_ =	shalt  }
0x83: {  	_ =	shalt  }
0x84: {  	_ =	shalt  }
0x85: {  	_ =	shalt  }
0x86: {  	_ =	shalt  }
0x87: {  	_ =	shalt  }
.Lfunc_end0:
.L_simem_size_0:
called_computation_lowered:
.L_overlay_start_0:
0x88: {  	s2 =	sld [smem:$0x3FD9]  }
0x89: {  	s3 =	sld [smem:$0x3FFE];
	_ =	sdelay $0x1  }
0x8a: {  	s1 =	srdreg.scid  }
0x8b: {  	s0 =	sand.u32 $0x1, s1  }
0x8c: {  	s17 =	sshll.u32 s0, $0xA;
	s2 =	sadd.s32 s3, s2  }
0x8d: {  	s2 =	sadd.s32 s2, s17  }
0x8e: {  	[smem:$0x3FC1] =	sst s2  }
0x8f: {  	_ = 	snop  }
0x90: {  	s2 =	sld [smem:$0x3FD0];
	(tm) =	ssettm $0x1  }
0x91: {  	s18 =	sld [smem:$0x3FFB];
	_ =	sdelay $0x3  }
0x92: {  	_ =	strace s18  }
0x93: {  	s3 =	sld [smem:$0x3FFC];
	_ =	sdelay $0x3  }
0x94: {  	_ =	strace s3  }
0x95: {  	s3 =	sld [smem:$0x3FFD];
	_ =	sdelay $0x3  }
0x96: {  	_ =	strace s3  }
0x97: {  	_ =	strace $0x8FFFFFFF  }
0x98: {  	s19 =	sld [smem:$0x3FDB];
	_ =	sdelay $0x1  }
0x99: {  	s4 =	simm.s32 $_scs_section_size  }
0x9a: {  	s5 =	simm.s32 $_size__tile_overlayer_lowered;
	s6 =	simm.s32 $_tile_overlayer_lowered  }
0x9b: {  	s22 =	simm.s32 $0x1BFF;
	s21 =	sshll.u32 s6, $0x1;
	s3 =	sadd.s32 s4, s19  }
0x9c: {  	s7 =	simm.s32 $0x0;
	s20 =	sshll.u32 s5, $0x1;
	s5 =	sadd.s32 s21, s3  }
0x9d: {  	[timem:s7], [sflag:s22] =	dma.local [hbm:s5], s20  }
0x9e: {  	_ =	swait.ge [sflag:s22], s20  }
0x9f: {  	s4 =	ssub.s32 $0x0, s20;
	[sflag:s22] =	ssyncset.done $0x0  }
0xa0: {  	[sflag:s22] =	ssyncadd.s32 s4;
	_ =	sdelay $0x1  }
0xa1: {  	s23 =	simm.s32 $0x1B8B  }
0xa2: {  	_ =	swait.ge [sflag:s23], $0x1  }
0xa3: {  	[sflag:s23] =	ssyncset.done $0x0  }
0xa4: {  	s25 =	simm.s32 $0x1B8E;
	s24 =	sld [smem:$0x3FFE];
	[sflag:s23] =	ssyncadd.s32 $0xFFFFFFFF  }
0xa5: {  	s26 =	simm.s32 $execute0_lowered;
	[smem:$0x3FD2] =	sst s25  }
0xa6: {  	s5 =	sshll.u32 s26, $0x1;
	_ =	strace $0x80000046;
	[dreg:$0x1] =	wrdreg $0xFFFFFFFF  }
0xa7: {  	s28 =	simm.s32 $_size_execute0_lowered;
	s3 =	sadd.s32 s3, s5;
	[dreg:$0x0] =	wrdreg $0x0  }
0xa8: {  	s5 =	sshll.u32 s28, $0x1;
	[dreg:$0x2] =	wrdreg s3  }
0xa9: {  	[dreg:$0x3] =	wrdreg s5  }
0xaa: {  	[dreg:$0x4] =	wrdreg $0xC0  }
0xab: {  	_ =	task [dreg:s7], $0x5FFFF  }
0xac: {  	[dreg:$0x1] =	wrdreg $0xFFFFFFFF  }
0xad: {  	[dreg:$0x0] =	wrdreg $0x60  }
0xae: {  	[dreg:$0x2] =	wrdreg s24  }
0xaf: {  	[dreg:$0x3] =	wrdreg s2  }
0xb0: {  	[dreg:$0x4] =	wrdreg $0x9  }
0xb1: {  	_ =	task.clear_ibuf [dreg:s7], $0x5FFFF;
	_ =	strace $0x90000046  }
0xb2: {  	s29 =	simm.s32 $0x9;
	_ =	strace $0x80000048  }
0xb3: {  	_ =	swait.ge [sflag:s29], $0x1  }
0xb4: {  	[sflag:s29] =	ssyncadd.s32 $0xFFFFFFFF  }
0xb5: {  	_ =	strace $0x90000048  }
0xb6: {  	_ =	sfence  }
0xb7: {  	s30 =	sld [smem:$0x0];
	_ =	sdelay $0x2  }
0xb8: {  	s31 =	sshll.u32 s1, $0xD;
	s1 =	sshrl.u32 s1, $0x2  }
0xb9: {  	s3 =	sand.u32 $0x4000, s31;
	s1 =	sadd.s32 s1, s30  }
0xba: {  	s0 =	sor.u32 s3, s0;
	s1 =	sshll.u32 s1, $0x11  }
0xbb: {  	s0 =	sor.u32 s1, s0  }
0xbc: {  	s0 =	sadd.s32 $0x8F2B, s0  }
0xbd: {  	[sflag:s0] =	ssyncadd.remote.s32 $0x1  }
0xbe: {  	_ =	sfence.sel $0xFFFF  }
0xbf: {  	[dreg:$0x0] =	wrdreg $0xFFFFFFFF;
	(pc) =	sbr.abs _section_cstart, $3  }
0xc0: {  	[dreg:$0x1] =	wrdreg $0xFFFFFFFF  }
0xc1: {  	_ =	task.clear_ibuf [dreg:s7], $0x2FFFF;
	_ =	strace $0x9FFFFFFF  }
0xc2: {  	(tm) =	ssettm $0x7FFFFFFF  }
0xc3: {  	_ =	shalt  }
tec
execute0_lowered:
.L_overlay_start_1:
0x0: {  	(tag) =	ssettag $0x1  }
0x1: {  	s1 =	srdreg.scid  }
0x2: {  	s0 =	stileid.u32;
	s14 =	sand.u32 $0x1, s1  }
0x3: {  	s5 =	rddreg [dreg:$0x0];
	s29 =	sshll.u32 s0, $0xA;
	s2 =	sshll.u32 s14, $0x9  }
0x4: {  	s15 =	rddreg [dreg:$0x1];
	s16 =	sor.u32 s2, s29  }
0x5: {  	s1 =	rddreg [dreg:$0x2];
	s2 =	simm.s32 $0x0;
	s3 =	sshrl.u32 s16, $0x3  }
0x6: {  	[smem:$0x7FF] =	sst s2;
	s3 =	sadd.s32 s3, s5  }
0x7: {  	_ =	strace $0x80000047;
	s4 =	sadd.s32 $0x1400, s3;
	s3 =	simm.s32 $0x2  }
0x8: {  	[tilespmem:s2], [sflag:$0x2] =	stream.linear.gather [hbm4b:s4+s2], $0x200, $0x38;
	[tilespmem:$0x10200] =	vst v63  }
0x9: {  	_ =	swait.ge [sflag:s3], $0x200  }
0xa: {  	s6 =	simm.s32 $0x80;
	[sflag:s3] =	ssyncset.done $0x0  }
0xb: {  	s7 =	simm.s32 $0x200;
	s5 =	sadd.s32 $0x1C00, s5;
	[sflag:s3] =	ssyncadd.s32 $0xFFFFFE00  }
0xc: {  	[tilespmem:s7], [sflag:$0x1] =	stream.indirect.gather [hbm4b:s5+s6], $0x80, s2, s6, $0xb8;
	[tilespmem:$0x10200] =	vst v63  }
0xd: {  	s8 =	simm.s32 $0x4200  }
0xe: {  	[tilespmem:s8], [sflag:$0x1] =	stream.indirect.gather [hbm4b:s5+s6], $0x80, s6, s6, $0xb8;
	[tilespmem:$0x10200] =	vst v63  }
0xf: {  	s9 =	simm.s32 $0x100;
	s10 =	simm.s32 $0x8200  }
0x10: {  	[tilespmem:s10], [sflag:$0x1] =	stream.indirect.gather [hbm4b:s5+s6], $0x80, s9, s6, $0xb8;
	[tilespmem:$0x10200] =	vst v63  }
0x11: {  	s11 =	simm.s32 $0x180;
	s12 =	simm.s32 $0xC200;
	s13 =	simm.s32 $0x1  }
0x12: {  	[tilespmem:s12], [sflag:$0x1] =	stream.indirect.gather [hbm4b:s5+s6], $0x80, s11, s6, $0xb8;
	[tilespmem:$0x10200] =	vst v63  }
0x13: {  	_ =	swait.ge [sflag:s13], $0x4000  }
0x14: {  	[sflag:s13] =	ssyncset.done $0x0  }
0x15: {  	[sflag:s13] =	ssyncadd.s32 $0xFFFFC000  }
0x16: {  	_ =	swait.ge [sflag:s13], $0x4000  }
0x17: {  	[sflag:s13] =	ssyncset.done $0x0  }
0x18: {  	s14 =	ssub.s32 $0x2, s14;
	[sflag:s13] =	ssyncadd.s32 $0xFFFFC000  }
0x19: {  	s17 =	sshrl.u32 s14, $0x1;
	_ =	swait.ge [sflag:s13], $0x4000  }
0x1a: {  	s17 =	ssub.s32 s14, s17;
	[sflag:s13] =	ssyncset.done $0x0  }
0x1b: {  	s31 =	smax.u32 s17, $0x1;
	[sflag:s13] =	ssyncadd.s32 $0xFFFFC000  }
0x1c: {  	p0 =	sne.s32 s31, $0x1;
	_ =	swait.ge [sflag:s13], $0x4000  }
.Ltmp0:
0x1d: {  	s30 =	sshll.u32 s16, $0x4;
	[sflag:s13] =	ssyncset.done $0x0;
	(pc) =	sbr.rel @!p0 .LBB2_2-.Ltmp0, $4  }
0x1e: {  	s14 =	sadd.s32 s15, s30;
	[sflag:s13] =	ssyncadd.s32 $0xFFFFC000  }
0x1f: {  	[hbm4b:s14+s2] =	stream.linear.scatter [tilespmem:s7], [sflag:$0x2], $0x10000, $0x38;
	[tilespmem:$0x10200] =	vst v63  }
0x20: {  	_ =	swait.ge [sflag:s3], $0x10000  }
0x21: {  	s15 =	sadd.s32 $0xFFFFFFFF, s31;
	[sflag:s3] =	ssyncset.done $0x0  }
.LBB2_1:
0x22: {  	p0 =	sne.s32 s15, $0x1;
	s15 =	sadd.s32 $0xFFFFFFFF, s15;
	[sflag:s3] =	ssyncadd.s32 $0xFFFF0000  }
0x23: {  	[tilespmem:s2], [sflag:$0x2] =	stream.linear.gather [hbm4b:s4+s2], $0x200, $0x38;
	[tilespmem:$0x10200] =	vst v63  }
0x24: {  	_ =	swait.ge [sflag:s3], $0x200  }
0x25: {  	[sflag:s3] =	ssyncset.done $0x0  }
0x26: {  	[sflag:s3] =	ssyncadd.s32 $0xFFFFFE00  }
0x27: {  	[tilespmem:s7], [sflag:$0x1] =	stream.indirect.gather [hbm4b:s5+s6], $0x80, s2, s6, $0xb8;
	[tilespmem:$0x10200] =	vst v63  }
0x28: {  	_ = 	snop  }
0x29: {  	[tilespmem:s8], [sflag:$0x1] =	stream.indirect.gather [hbm4b:s5+s6], $0x80, s6, s6, $0xb8;
	[tilespmem:$0x10200] =	vst v63  }
0x2a: {  	_ = 	snop  }
0x2b: {  	[tilespmem:s10], [sflag:$0x1] =	stream.indirect.gather [hbm4b:s5+s6], $0x80, s9, s6, $0xb8;
	[tilespmem:$0x10200] =	vst v63  }
0x2c: {  	_ = 	snop  }
0x2d: {  	[tilespmem:s12], [sflag:$0x1] =	stream.indirect.gather [hbm4b:s5+s6], $0x80, s11, s6, $0xb8;
	[tilespmem:$0x10200] =	vst v63  }
0x2e: {  	_ =	swait.ge [sflag:s13], $0x4000  }
0x2f: {  	[sflag:s13] =	ssyncset.done $0x0  }
0x30: {  	[sflag:s13] =	ssyncadd.s32 $0xFFFFC000  }
0x31: {  	_ =	swait.ge [sflag:s13], $0x4000  }
0x32: {  	[sflag:s13] =	ssyncset.done $0x0  }
0x33: {  	[sflag:s13] =	ssyncadd.s32 $0xFFFFC000  }
0x34: {  	_ =	swait.ge [sflag:s13], $0x4000  }
0x35: {  	[sflag:s13] =	ssyncset.done $0x0  }
0x36: {  	[sflag:s13] =	ssyncadd.s32 $0xFFFFC000  }
0x37: {  	_ =	swait.ge [sflag:s13], $0x4000  }
.Ltmp1:
0x38: {  	[sflag:s13] =	ssyncset.done $0x0;
	(pc) =	sbr.rel @p0 .LBB2_1-.Ltmp1, $4  }
0x39: {  	[sflag:s13] =	ssyncadd.s32 $0xFFFFC000  }
0x3a: {  	[hbm4b:s14+s2] =	stream.linear.scatter [tilespmem:s7], [sflag:$0x2], $0x10000, $0x38;
	[tilespmem:$0x10200] =	vst v63  }
0x3b: {  	_ =	swait.ge [sflag:s3], $0x10000  }
0x3c: {  	[sflag:s3] =	ssyncset.done $0x0  }
.LBB2_2:
0x3d: {  	[sflag:s3] =	ssyncadd.s32 $0xFFFF0000  }
0x3e: {  	_ =	sfence.sel $0x180000  }
0x3f: {  	[bflag:$0x0] =	sbarrier.arrive $0xFFFF  }
0x40: {  	p0 =	sne.s32 s0, $0x0;
	_ =	strace $0x90000047  }
0x41: {  	s0 =	sadd.s32 @!p0 $0x100000, s1;
	[bflag:$0x2] =	sbarrier.arrive $0xFFFF  }
0x42: {  	[sflag:s0] =	ssyncadd.tile.s32 @!p0 $0x1;
	_ =	shalt  }
.Lfunc_end2:
_tile_overlayer_lowered:
.L_overlay_start_2:
0x43: {  	(tag) =	ssettag $0x2  }
0x44: {  	s0 =	rddreg [dreg:$0x0];
	s2 =	stileid.u32  }
0x45: {  	s1 =	rddreg [dreg:$0x1];
	p0 =	sne.s32 s2, $0x0  }
0x46: {  	s3 =	rddreg [dreg:$0x2];
	[bflag:$0x3] =	sbarrier.arrive $0xFFFF;
	s2 =	simm.s32 @!p0 $0x1C02  }
0x47: {  	[timem:s3], [sflag:s2] =	dma.local @!p0 [hbm:s0], s1  }
0x48: {  	s0 =	simm.s32 @!p0 $0x2  }
0x49: {  	_ =	swait.ge @!p0 [sflag:s0], s1  }
0x4a: {  	s1 =	ssub.s32 @!p0 $0x0, s1;
	[sflag:s0] =	ssyncset.done @!p0 $0x0  }
0x4b: {  	[sflag:s0] =	ssyncadd.s32 @!p0 s1  }
0x4c: {  	[bflag:$0x3] =	sbarrier.arrive $0xFFFF  }
0x4d: {  	_ =	shalt  }

</sc_bundles>
